<compile_context>
chip_gen: v7x
topology: tpu7x:2x2x1
jax: 0.10.2.dev20260603
libtpu: 0.0.44.dev20260713+nightly
codegen_flags: <defaults>
</compile_context>

<pallas_src>
import functools

import jax
import jax.numpy as jnp
from jax import lax
from jax.experimental import pallas as pl
from jax.experimental.pallas import tpu as pltpu
from jax.experimental.pallas import tpu_sc as plsc

CYCLE = 168
LEN = 336
D = 128
B = 1024

NC = 2
NS = 16
NW = NC * NS
BPW = B // NW


def _sc_cycle_gather(index, data):
  mesh = plsc.VectorSubcoreMesh(core_axis_name="c", subcore_axis_name="s")

  @functools.partial(
      pl.kernel,
      out_type=jax.ShapeDtypeStruct((B * LEN, D), jnp.float32),
      mesh=mesh,
      scratch_types=[
          pltpu.VMEM((BPW + 16,), jnp.int32),
          pltpu.VMEM((2 * CYCLE, D), jnp.float32),
          pltpu.SemaphoreType.DMA,
          pltpu.SemaphoreType.DMA,
      ],
  )
  def k(index_hbm, data_hbm, out_hbm, sidx_v, d2_v, tsem, wsem):
    wid = lax.axis_index("s") * NC + lax.axis_index("c")
    base = wid * BPW

    cp0 = pltpu.async_copy(data_hbm, d2_v.at[pl.ds(0, CYCLE)], tsem)
    cp1 = pltpu.async_copy(data_hbm, d2_v.at[pl.ds(CYCLE, CYCLE)], tsem)
    pltpu.sync_copy(index_hbm.at[pl.ds(base, BPW)], sidx_v.at[pl.ds(0, BPW)])
    cp0.wait()
    cp1.wait()

    def body(s, carry):
      r = sidx_v[pl.ds(s, 16)][0]
      src = d2_v.at[pl.ds(r, CYCLE)]
      pltpu.async_copy(
          src, out_hbm.at[pl.ds((base + s) * LEN, CYCLE)], wsem)
      pltpu.async_copy(
          src, out_hbm.at[pl.ds((base + s) * LEN + CYCLE, CYCLE)], wsem)
      return carry

    lax.fori_loop(0, BPW, body, 0)

    whole = out_hbm.at[pl.ds(base * LEN, BPW * LEN)]
    pltpu.make_async_copy(whole, whole, wsem).wait()

  return k(index, data)


def kernel(index, length, data):
  del length
  out = _sc_cycle_gather(index.astype(jnp.int32), data)
  return out.reshape(B, LEN, D)

# --- scband reference (transcript-rebuilt; emitter-appended) ---
"""Pipeline reference for scband-recurrent-cycle-51531017618123 (READ-ONLY COPY).

The authoritative reference and input builder live on the scoring server;
editing this copy changes nothing except your own understanding.
"""

import jax, jax.numpy as jnp
import numpy as np

CYCLE_LEN = 168
CHANNEL_SIZE = 128
BATCH = 1024
LENGTH = 336


def setup_inputs(seed: int = 0) -> dict:
    key = jax.random.key(seed)
    k1, k2 = jax.random.split(key)
    index = jax.random.randint(k1, (BATCH,), 0, CYCLE_LEN)
    data = jax.random.normal(k2, (CYCLE_LEN, CHANNEL_SIZE), dtype=jnp.float32) * 0.02
    return {"index": index, "length": LENGTH, "data": data}


def reference(index, length, data):
    # Original torch module rolls `data` by -index[i] along dim 0 and then
    # tiles/truncates to `length` rows. Row t of the rolled-and-tiled output
    # for sample i is data[(index[i] + t) % cycle_len], so the whole forward
    # is a single modular gather into the cycle parameter table.
    gather_idx = (index[:, None] + jnp.arange(LENGTH) + (length - LENGTH)) % CYCLE_LEN  # [B, length]
    out = jnp.take(data, gather_idx, axis=0)  # [B, length, channel_size]
    return out

if __name__ == "__main__":
    import jax
    _d = setup_inputs()
    print(jax.jit(kernel)(*tuple(_d.values())))

</pallas_src>

<mosaic_0001>
#map = affine_map<(d0, d1) -> (0)>
#map1 = affine_map<(d0, d1) -> (0, 0)>
module attributes {stable_mosaic.version = 14 : i64} {
  func.func @k(%arg0: i32, %arg1: i32, %arg2: memref<1024xi32, #tpu.memory_space<hbm>>, %arg3: memref<168x128xf32, #tpu.memory_space<hbm>>, %arg4: memref<344064x128xf32, #tpu.memory_space<hbm>>, %arg5: memref<48xi32, #tpu.memory_space<vmem>>, %arg6: memref<336x128xf32, #tpu.memory_space<vmem>>, %arg7: memref<!tpu.dma_semaphore, #tpu.memory_space<semaphore_mem>>, %arg8: memref<!tpu.dma_semaphore, #tpu.memory_space<semaphore_mem>>) attributes {dimension_semantics = [#tpu.dimension_semantics<core_parallel>, #tpu.dimension_semantics<subcore_parallel>], iteration_bounds = array<i64: 2, 16>, scalar_prefetch = 0 : i64, scratch_operands = 4 : i64, tpu.core_type = #tpu.core_type<sc_vector_subcore>, window_params = [{transform_indices = #map}, {transform_indices = #map1}, {transform_indices = #map1}]} {
    %mul3A = arith.constant 2 : i32
    %mul3A_0 = arith.muli %arg1, %mul3A : i32
    %add3A = arith.addi %mul3A_0, %arg0 : i32
    %mul3A_1 = arith.constant 32 : i32
    %mul3A_2 = arith.muli %add3A, %mul3A_1 : i32
    %dma_start3A = arith.constant 0 : i32
    %dma_start3A_3 = arith.constant 0 : i32
    %dma_start3A_4 = tpu.memref_slice %arg6[%dma_start3A, %dma_start3A_3] : memref<336x128xf32, #tpu.memory_space<vmem>> -> memref<168x128xf32, #tpu.memory_space<vmem>>
    %dma_start3A_5 = arith.constant 0 : i32
    %dma_start3A_6 = arith.constant 0 : i32
    %dma_start3A_7 = tpu.memref_slice %arg6[%dma_start3A_5, %dma_start3A_6] : memref<336x128xf32, #tpu.memory_space<vmem>> -> memref<168x128xf32, #tpu.memory_space<vmem>>
    tpu.enqueue_dma source(%arg3 : memref<168x128xf32, #tpu.memory_space<hbm>>) target(%dma_start3A_7 : memref<168x128xf32, #tpu.memory_space<vmem>>) target_semaphore(%arg7 : memref<!tpu.dma_semaphore, #tpu.memory_space<semaphore_mem>>)
    %dma_start3A_8 = arith.constant 168 : i32
    %dma_start3A_9 = arith.constant 0 : i32
    %dma_start3A_10 = tpu.memref_slice %arg6[%dma_start3A_8, %dma_start3A_9] : memref<336x128xf32, #tpu.memory_space<vmem>> -> memref<168x128xf32, #tpu.memory_space<vmem>>
    %dma_start3A_11 = arith.constant 168 : i32
    %dma_start3A_12 = arith.constant 0 : i32
    %dma_start3A_13 = tpu.memref_slice %arg6[%dma_start3A_11, %dma_start3A_12] : memref<336x128xf32, #tpu.memory_space<vmem>> -> memref<168x128xf32, #tpu.memory_space<vmem>>
    tpu.enqueue_dma source(%arg3 : memref<168x128xf32, #tpu.memory_space<hbm>>) target(%dma_start3A_13 : memref<168x128xf32, #tpu.memory_space<vmem>>) target_semaphore(%arg7 : memref<!tpu.dma_semaphore, #tpu.memory_space<semaphore_mem>>)
    "tpu.region"() ({
      %run_scoped3A = tpu.sem_alloc : memref<!tpu.dma_semaphore, #tpu.memory_space<semaphore_mem>>
      %dma_start3A_36 = arith.constant 0 : i32
      %dma_start3A_37 = tpu.memref_slice %arg5[%dma_start3A_36] : memref<48xi32, #tpu.memory_space<vmem>> -> memref<32xi32, #tpu.memory_space<vmem>>
      %dma_start3A_38 = tpu.memref_slice %arg2[%mul3A_2] : memref<1024xi32, #tpu.memory_space<hbm>> -> memref<32xi32, #tpu.memory_space<hbm>>
      %dma_start3A_39 = arith.constant 0 : i32
      %dma_start3A_40 = tpu.memref_slice %arg5[%dma_start3A_39] : memref<48xi32, #tpu.memory_space<vmem>> -> memref<32xi32, #tpu.memory_space<vmem>>
      %dma_start3A_41 = tpu.memref_slice %arg2[%mul3A_2] : memref<1024xi32, #tpu.memory_space<hbm>> -> memref<32xi32, #tpu.memory_space<hbm>>
      tpu.enqueue_dma source(%dma_start3A_41 : memref<32xi32, #tpu.memory_space<hbm>>) target(%dma_start3A_40 : memref<32xi32, #tpu.memory_space<vmem>>) target_semaphore(%run_scoped3A : memref<!tpu.dma_semaphore, #tpu.memory_space<semaphore_mem>>)
      %dma_wait3A_42 = arith.constant 0 : i32
      %dma_wait3A_43 = tpu.memref_slice %arg5[%dma_wait3A_42] : memref<48xi32, #tpu.memory_space<vmem>> -> memref<32xi32, #tpu.memory_space<vmem>>
      %dma_wait3A_44 = tpu.memref_slice %arg2[%mul3A_2] : memref<1024xi32, #tpu.memory_space<hbm>> -> memref<32xi32, #tpu.memory_space<hbm>>
      %dma_wait3A_45 = arith.constant 0 : i32
      %dma_wait3A_46 = tpu.memref_slice %arg5[%dma_wait3A_45] : memref<48xi32, #tpu.memory_space<vmem>> -> memref<32xi32, #tpu.memory_space<vmem>>
      %dma_wait3A_47 = tpu.memref_slice %arg2[%mul3A_2] : memref<1024xi32, #tpu.memory_space<hbm>> -> memref<32xi32, #tpu.memory_space<hbm>>
      tpu.wait_dma2 semaphore(%run_scoped3A : memref<!tpu.dma_semaphore, #tpu.memory_space<semaphore_mem>>) src(%dma_wait3A_47 : memref<32xi32, #tpu.memory_space<hbm>>) dst(%dma_wait3A_46 : memref<32xi32, #tpu.memory_space<vmem>>)
      tpu.yield
    }) : () -> ()
    %dma_wait3A = arith.constant 0 : i32
    %dma_wait3A_14 = arith.constant 0 : i32
    %dma_wait3A_15 = tpu.memref_slice %arg6[%dma_wait3A, %dma_wait3A_14] : memref<336x128xf32, #tpu.memory_space<vmem>> -> memref<168x128xf32, #tpu.memory_space<vmem>>
    %dma_wait3A_16 = arith.constant 0 : i32
    %dma_wait3A_17 = arith.constant 0 : i32
    %dma_wait3A_18 = tpu.memref_slice %arg6[%dma_wait3A_16, %dma_wait3A_17] : memref<336x128xf32, #tpu.memory_space<vmem>> -> memref<168x128xf32, #tpu.memory_space<vmem>>
    tpu.wait_dma2 semaphore(%arg7 : memref<!tpu.dma_semaphore, #tpu.memory_space<semaphore_mem>>) src(%arg3 : memref<168x128xf32, #tpu.memory_space<hbm>>) dst(%dma_wait3A_18 : memref<168x128xf32, #tpu.memory_space<vmem>>)
    %dma_wait3A_19 = arith.constant 168 : i32
    %dma_wait3A_20 = arith.constant 0 : i32
    %dma_wait3A_21 = tpu.memref_slice %arg6[%dma_wait3A_19, %dma_wait3A_20] : memref<336x128xf32, #tpu.memory_space<vmem>> -> memref<168x128xf32, #tpu.memory_space<vmem>>
    %dma_wait3A_22 = arith.constant 168 : i32
    %dma_wait3A_23 = arith.constant 0 : i32
    %dma_wait3A_24 = tpu.memref_slice %arg6[%dma_wait3A_22, %dma_wait3A_23] : memref<336x128xf32, #tpu.memory_space<vmem>> -> memref<168x128xf32, #tpu.memory_space<vmem>>
    tpu.wait_dma2 semaphore(%arg7 : memref<!tpu.dma_semaphore, #tpu.memory_space<semaphore_mem>>) src(%arg3 : memref<168x128xf32, #tpu.memory_space<hbm>>) dst(%dma_wait3A_24 : memref<168x128xf32, #tpu.memory_space<vmem>>)
    %scan3A = arith.constant 0 : i32
    %scan3A_25 = arith.constant 0 : i32
    %scan3A_26 = arith.constant 32 : i32
    %scan3A_27 = arith.addi %scan3A_25, %scan3A_26 : i32
    %scan3A_28 = arith.constant 1 : i32
    scf.for %scan3A_36 = %scan3A_25 to %scan3A_27 step %scan3A_28  : i32 {
      %get3A = arith.index_cast %scan3A_36 : i32 to index
      %get3A_37 = tpu.vector_load %arg5[%get3A] {strides = array<i32>} : memref<48xi32, #tpu.memory_space<vmem>>, vector<16xi32>,
      %get3A_38 = vector.shape_cast %get3A_37 : vector<16xi32> to vector<16xi32>
      %slice3A = vector.extract_strided_slice %get3A_38 {offsets = [0], sizes = [1], strides = [1]} : vector<16xi32> to vector<1xi32>
      %squeeze3A = vector.extract %slice3A[0] : i32 from vector<1xi32>
      %add3A_39 = arith.addi %mul3A_2, %scan3A_36 : i32
      %mul3A_40 = arith.constant 336 : i32
      %mul3A_41 = arith.muli %add3A_39, %mul3A_40 : i32
      %dma_start3A_42 = arith.constant 0 : i32
      %dma_start3A_43 = tpu.memref_slice %arg6[%squeeze3A, %dma_start3A_42] : memref<336x128xf32, #tpu.memory_space<vmem>> -> memref<168x128xf32, #tpu.memory_space<vmem>>
      %dma_start3A_44 = arith.constant 0 : i32
      %dma_start3A_45 = tpu.memref_slice %arg4[%mul3A_41, %dma_start3A_44] : memref<344064x128xf32, #tpu.memory_space<hbm>> -> memref<168x128xf32, #tpu.memory_space<hbm>>
      %dma_start3A_46 = arith.constant 0 : i32
      %dma_start3A_47 = tpu.memref_slice %arg4[%mul3A_41, %dma_start3A_46] : memref<344064x128xf32, #tpu.memory_space<hbm>> -> memref<168x128xf32, #tpu.memory_space<hbm>>
      %dma_start3A_48 = arith.constant 0 : i32
      %dma_start3A_49 = tpu.memref_slice %arg6[%squeeze3A, %dma_start3A_48] : memref<336x128xf32, #tpu.memory_space<vmem>> -> memref<168x128xf32, #tpu.memory_space<vmem>>
      tpu.enqueue_dma source(%dma_start3A_49 : memref<168x128xf32, #tpu.memory_space<vmem>>) target(%dma_start3A_47 : memref<168x128xf32, #tpu.memory_space<hbm>>) target_semaphore(%arg8 : memref<!tpu.dma_semaphore, #tpu.memory_space<semaphore_mem>>)
      %add3A_50 = arith.addi %mul3A_2, %scan3A_36 : i32
      %mul3A_51 = arith.constant 336 : i32
      %mul3A_52 = arith.muli %add3A_50, %mul3A_51 : i32
      %add3A_53 = arith.constant 168 : i32
      %add3A_54 = arith.addi %mul3A_52, %add3A_53 : i32
      %dma_start3A_55 = arith.constant 0 : i32
      %dma_start3A_56 = tpu.memref_slice %arg6[%squeeze3A, %dma_start3A_55] : memref<336x128xf32, #tpu.memory_space<vmem>> -> memref<168x128xf32, #tpu.memory_space<vmem>>
      %dma_start3A_57 = arith.constant 0 : i32
      %dma_start3A_58 = tpu.memref_slice %arg4[%add3A_54, %dma_start3A_57] : memref<344064x128xf32, #tpu.memory_space<hbm>> -> memref<168x128xf32, #tpu.memory_space<hbm>>
      %dma_start3A_59 = arith.constant 0 : i32
      %dma_start3A_60 = tpu.memref_slice %arg4[%add3A_54, %dma_start3A_59] : memref<344064x128xf32, #tpu.memory_space<hbm>> -> memref<168x128xf32, #tpu.memory_space<hbm>>
      %dma_start3A_61 = arith.constant 0 : i32
      %dma_start3A_62 = tpu.memref_slice %arg6[%squeeze3A, %dma_start3A_61] : memref<336x128xf32, #tpu.memory_space<vmem>> -> memref<168x128xf32, #tpu.memory_space<vmem>>
      tpu.enqueue_dma source(%dma_start3A_62 : memref<168x128xf32, #tpu.memory_space<vmem>>) target(%dma_start3A_60 : memref<168x128xf32, #tpu.memory_space<hbm>>) target_semaphore(%arg8 : memref<!tpu.dma_semaphore, #tpu.memory_space<semaphore_mem>>)
    }
    %scan3A_29 = arith.constant 32 : i32
    %mul3A_30 = arith.constant 336 : i32
    %mul3A_31 = arith.muli %mul3A_2, %mul3A_30 : i32
    %dma_wait3A_32 = arith.constant 0 : i32
    %dma_wait3A_33 = tpu.memref_slice %arg4[%mul3A_31, %dma_wait3A_32] : memref<344064x128xf32, #tpu.memory_space<hbm>> -> memref<10752x128xf32, #tpu.memory_space<hbm>>
    %dma_wait3A_34 = arith.constant 0 : i32
    %dma_wait3A_35 = tpu.memref_slice %arg4[%mul3A_31, %dma_wait3A_34] : memref<344064x128xf32, #tpu.memory_space<hbm>> -> memref<10752x128xf32, #tpu.memory_space<hbm>>
    tpu.wait_dma2 semaphore(%arg8 : memref<!tpu.dma_semaphore, #tpu.memory_space<semaphore_mem>>) src(%dma_wait3A_35 : memref<10752x128xf32, #tpu.memory_space<hbm>>) dst(%dma_wait3A_33 : memref<10752x128xf32, #tpu.memory_space<hbm>>)
    return
  }
}

</mosaic_0001>

<sc_bundles>
// kernel: kernel.3.cloned.1.call-start
scs
__scs_entry_jumppad:
0x0: {  	(pc) =	sbr.rel $0x88, $3  }
0x1: {  	(tag) =	ssettag $0x0;
	lr =	simm.s32 $0x1  }
0x2: {  	[smem:$0x3F9F] =	sst lr;
	_ =	strace $0xD0000000  }
0x3: {  	_ = 	snop  }
0x4: {  	_ = 	snop  }
0x5: {  	_ = 	snop  }
0x6: {  	_ = 	snop  }
0x7: {  	_ = 	snop  }
__scs_overlays_trampoline_lowered:
0x8: {  	[smem:$0x3FAE] =	sst s0  }
0x9: {  	[smem:$0x3FAF] =	sst s1  }
0xa: {  	[smem:$0x3FB0] =	sst s2  }
0xb: {  	[smem:$0x3FB1] =	sst s3  }
0xc: {  	[smem:$0x3FB2] =	sst s4  }
0xd: {  	[smem:$0x3FB3] =	sst s5  }
0xe: {  	[smem:$0x3FB4] =	sst s6  }
0xf: {  	[smem:$0x3FB5] =	sst s7  }
0x10: {  	[smem:$0x3FB6] =	sst s8  }
0x11: {  	[smem:$0x3FB7] =	sst s9;
	s0 =	simm.s32 @!p0 $0x0  }
0x12: {  	s1 =	sld [smem:$0x3F9D];
	s0 =	simm.s32 @p0 $0x1  }
0x13: {  	[smem:$0x3FB8] =	sst s0;
	s0 =	simm.s32 @!p1 $0x0  }
0x14: {  	s2 =	sld [smem:$0x3F9C];
	s0 =	simm.s32 @p1 $0x1  }
0x15: {  	[smem:$0x3FB9] =	sst s0;
	s0 =	simm.s32 @!p2 $0x0  }
0x16: {  	s3 =	sld [smem:$0x3FDB];
	s0 =	simm.s32 @p2 $0x1  }
0x17: {  	s4 =	simm.s32 $0x1BF5;
	[smem:$0x3FBB] =	sst s0  }
0x18: {  	s0 =	sld [smem:$0x3F9E];
	_ =	swait.ge [sflag:s4], $0x0  }
0x19: {  	s7 =	sld [smem:$0x3F9F]  }
0x1a: {  	s8 =	sadd.s32 $0xFFFFE003, lr  }
0x1b: {  	s9 =	sadd.s32 $0xFFFFFEF7, lr;
	s5 =	simm.s32 $0xFFFFFFFF;
	p2 =	slt.u32 s8, $0xFFFFF086  }
0x1c: {  	p1 =	slt.u32 s9, $0xF7A;
	s5 =	simm.s32 @!p2 $0x0  }
0x1d: {  	s5 =	simm.s32 @p1 $0x1;
	p0 =	seq.s32 s7, s2  }
0x1e: {  	s7 =	smul.u32 @!p0 $0xF7A, s2;
	p2 =	seq.s32 @!p0 s5, $0x0  }
0x1f: {  	s9 =	smul.u32 $0xF7A, s1;
	s8 =	simm.s32 @!p0 $0x1BF5;
	p2 =	por !p2, p0  }
0x20: {  	[sflag:s8] =	ssyncset.s32 @!p0 $0xFFFFF086;
	s6 =	sadd.s32 @!p0 s3, s7;
	s7 =	simm.s32 @!p0 $0x108  }
0x21: {  	s3 =	sadd.s32 s3, s9;
	s6 =	sadd.s32 @!p0 $0x88, s6;
	s7 =	simm.s32 @p2 $0x1082  }
0x22: {  	[simem:s7], [sflag:s8] =	dma.local @!p0 [hbm:s6], $0xF7A  }
0x23: {  	s9 =	sor.u32 $0xD0000000, s2;
	s6 =	simm.s32 $0x108;
	_ =	swait.ge @!p0 [sflag:s8], $0x0  }
0x24: {  	s3 =	sadd.s32 $0x88, s3;
	s6 =	simm.s32 @!p1 $0x1082;
	[sflag:s4] =	ssyncset.s32 $0xFFFFF086  }
0x25: {  	[simem:s6], [sflag:s4] =	dma.local [hbm:s3], $0xF7A  }
0x26: {  	[smem:$0x3F9F] =	sst s1;
	(tag) =	ssettag s2;
	_ =	strace s9  }
0x27: {  	s1 =	sld [smem:$0x3FAF]  }
0x28: {  	s2 =	sld [smem:$0x3FB0]  }
0x29: {  	s4 =	sld [smem:$0x3FB2]  }
0x2a: {  	p0 =	seq.s32 s5, $0x0;
	s5 =	sld [smem:$0x3FB3]  }
0x2b: {  	s6 =	sld [smem:$0x3FB4]  }
0x2c: {  	s7 =	sld [smem:$0x3FB5]  }
0x2d: {  	s3 =	simm.s32 $0x108;
	s8 =	sld [smem:$0x3FB6]  }
0x2e: {  	s3 =	simm.s32 @!p0 $0x1082;
	s9 =	sld [smem:$0x3FB7]  }
0x2f: {  	lr =	sadd.s32 s0, s3;
	s0 =	sld [smem:$0x3FAE]  }
0x30: {  	s3 =	sld [smem:$0x3FB1]  }
0x31: {  	[smem:$0x3FBA] =	sst s10  }
0x32: {  	s10 =	sld [smem:$0x3FB8];
	_ =	sdelay $0x3  }
0x33: {  	p0 =	seq.s32 s10, $0x1;
	s10 =	sld [smem:$0x3FBA];
	_ =	sdelay $0x3  }
0x34: {  	[smem:$0x3FBA] =	sst s10  }
0x35: {  	s10 =	sld [smem:$0x3FB9];
	_ =	sdelay $0x3  }
0x36: {  	p1 =	seq.s32 s10, $0x1;
	s10 =	sld [smem:$0x3FBA];
	_ =	sdelay $0x3  }
0x37: {  	[smem:$0x3FBA] =	sst s10  }
0x38: {  	s10 =	sld [smem:$0x3FBB]  }
0x39: {  	_ = 	snop;
	(pc) =	sbr.ind lr, $3  }
0x3a: {  	_ = 	snop  }
0x3b: {  	_ = 	snop  }
0x3c: {  	p2 =	seq.s32 s10, $0x1;
	s10 =	sld [smem:$0x3FBA]  }
0x3d: {  	_ =	shalt  }
0x3e: {  	_ =	shalt  }
0x3f: {  	_ =	shalt  }
0x40: {  	_ =	shalt  }
0x41: {  	_ =	shalt  }
0x42: {  	_ =	shalt  }
0x43: {  	_ =	shalt  }
0x44: {  	_ =	shalt  }
0x45: {  	_ =	shalt  }
0x46: {  	_ =	shalt  }
0x47: {  	_ =	shalt  }
0x48: {  	_ =	shalt  }
0x49: {  	_ =	shalt  }
0x4a: {  	_ =	shalt  }
0x4b: {  	_ =	shalt  }
0x4c: {  	_ =	shalt  }
0x4d: {  	_ =	shalt  }
0x4e: {  	_ =	shalt  }
0x4f: {  	_ =	shalt  }
0x50: {  	_ =	shalt  }
0x51: {  	_ =	shalt  }
0x52: {  	_ =	shalt  }
0x53: {  	_ =	shalt  }
0x54: {  	_ =	shalt  }
0x55: {  	_ =	shalt  }
0x56: {  	_ =	shalt  }
0x57: {  	_ =	shalt  }
0x58: {  	_ =	shalt  }
0x59: {  	_ =	shalt  }
0x5a: {  	_ =	shalt  }
0x5b: {  	_ =	shalt  }
0x5c: {  	_ =	shalt  }
0x5d: {  	_ =	shalt  }
0x5e: {  	_ =	shalt  }
0x5f: {  	_ =	shalt  }
0x60: {  	_ =	shalt  }
0x61: {  	_ =	shalt  }
0x62: {  	_ =	shalt  }
0x63: {  	_ =	shalt  }
0x64: {  	_ =	shalt  }
0x65: {  	_ =	shalt  }
0x66: {  	_ =	shalt  }
0x67: {  	_ =	shalt  }
0x68: {  	_ =	shalt  }
0x69: {  	_ =	shalt  }
0x6a: {  	_ =	shalt  }
0x6b: {  	_ =	shalt  }
0x6c: {  	_ =	shalt  }
0x6d: {  	_ =	shalt  }
0x6e: {  	_ =	shalt  }
0x6f: {  	_ =	shalt  }
0x70: {  	_ =	shalt  }
0x71: {  	_ =	shalt  }
0x72: {  	_ =	shalt  }
0x73: {  	_ =	shalt  }
0x74: {  	_ =	shalt  }
0x75: {  	_ =	shalt  }
0x76: {  	_ =	shalt  }
0x77: {  	_ =	shalt  }
0x78: {  	_ =	shalt  }
0x79: {  	_ =	shalt  }
0x7a: {  	_ =	shalt  }
0x7b: {  	_ =	shalt  }
0x7c: {  	_ =	shalt  }
0x7d: {  	_ =	shalt  }
0x7e: {  	_ =	shalt  }
0x7f: {  	_ =	shalt  }
0x80: {  	_ =	shalt  }
0x81: {  	_ =	shalt  }
0x82: {  	_ =	shalt  }
0x83: {  	_ =	shalt  }
0x84: {  	_ =	shalt  }
0x85: {  	_ =	shalt  }
0x86: {  	_ =	shalt  }
0x87: {  	_ =	shalt  }
.Lfunc_end0:
.L_simem_size_0:
called_computation_lowered:
.L_overlay_start_0:
0x88: {  	s2 =	sld [smem:$0x3FD9]  }
0x89: {  	s3 =	sld [smem:$0x3FFE];
	_ =	sdelay $0x1  }
0x8a: {  	s1 =	srdreg.scid  }
0x8b: {  	s0 =	sand.u32 $0x1, s1  }
0x8c: {  	s18 =	sshll.u32 s0, $0xA;
	s2 =	sadd.s32 s3, s2  }
0x8d: {  	s2 =	sadd.s32 s2, s18  }
0x8e: {  	[smem:$0x3FC6] =	sst s2  }
0x8f: {  	_ = 	snop  }
0x90: {  	s2 =	sld [smem:$0x3FC9]  }
0x91: {  	s19 =	sld [smem:$0x3FC8]  }
0x92: {  	s4 =	sld [smem:$0x3FD0];
	(tm) =	ssettm $0x1  }
0x93: {  	s5 =	sld [smem:$0x3FFB];
	_ =	sdelay $0x3  }
0x94: {  	_ =	strace s5  }
0x95: {  	s5 =	sld [smem:$0x3FFC];
	_ =	sdelay $0x3  }
0x96: {  	_ =	strace s5  }
0x97: {  	s5 =	sld [smem:$0x3FFD];
	_ =	sdelay $0x3  }
0x98: {  	_ =	strace s5  }
0x99: {  	_ =	strace $0x8FFFFFFF  }
0x9a: {  	s20 =	sld [smem:$0x3FDB];
	_ =	sdelay $0x1  }
0x9b: {  	s6 =	simm.s32 $_scs_section_size  }
0x9c: {  	s7 =	simm.s32 $_size__tile_overlayer_lowered;
	s8 =	simm.s32 $_tile_overlayer_lowered  }
0x9d: {  	s23 =	simm.s32 $0x1BFF;
	s22 =	sshll.u32 s8, $0x1;
	s5 =	sadd.s32 s6, s20  }
0x9e: {  	s9 =	simm.s32 $0x0;
	s21 =	sshll.u32 s7, $0x1;
	s7 =	sadd.s32 s22, s5  }
0x9f: {  	[timem:s9], [sflag:s23] =	dma.local [hbm:s7], s21  }
0xa0: {  	_ =	swait.ge [sflag:s23], s21  }
0xa1: {  	s6 =	ssub.s32 $0x0, s21;
	[sflag:s23] =	ssyncset.done $0x0  }
0xa2: {  	[sflag:s23] =	ssyncadd.s32 s6;
	_ =	sdelay $0x1  }
0xa3: {  	s24 =	simm.s32 $0x1B8B  }
0xa4: {  	_ =	swait.ge [sflag:s24], $0x1  }
0xa5: {  	[sflag:s24] =	ssyncset.done $0x0  }
0xa6: {  	s25 =	simm.s32 $0x1B8E;
	[sflag:s24] =	ssyncadd.s32 $0xFFFFFFFF  }
0xa7: {  	s26 =	simm.s32 $execute0_lowered;
	[smem:$0x3FD2] =	sst s25  }
0xa8: {  	s6 =	sshll.u32 s26, $0x1;
	_ =	strace $0x80000046;
	[dreg:$0x1] =	wrdreg $0xFFFFFFFF  }
0xa9: {  	s28 =	simm.s32 $_size_execute0_lowered;
	s5 =	sadd.s32 s5, s6;
	[dreg:$0x0] =	wrdreg $0x0  }
0xaa: {  	s6 =	sshll.u32 s28, $0x1;
	[dreg:$0x2] =	wrdreg s5  }
0xab: {  	[dreg:$0x3] =	wrdreg s6  }
0xac: {  	[dreg:$0x4] =	wrdreg $0xC0  }
0xad: {  	_ =	task [dreg:s9], $0x5FFFF  }
0xae: {  	[dreg:$0x1] =	wrdreg $0xFFFFFFFF  }
0xaf: {  	[dreg:$0x0] =	wrdreg $0x60  }
0xb0: {  	[dreg:$0x2] =	wrdreg s2  }
0xb1: {  	[dreg:$0x3] =	wrdreg s19  }
0xb2: {  	[dreg:$0x4] =	wrdreg s4  }
0xb3: {  	[dreg:$0x5] =	wrdreg $0x9  }
0xb4: {  	_ =	task.clear_ibuf [dreg:s9], $0x6FFFF;
	_ =	strace $0x90000046  }
0xb5: {  	s29 =	simm.s32 $0x9;
	_ =	strace $0x80000048  }
0xb6: {  	_ =	swait.ge [sflag:s29], $0x1  }
0xb7: {  	[sflag:s29] =	ssyncadd.s32 $0xFFFFFFFF  }
0xb8: {  	_ =	strace $0x90000048  }
0xb9: {  	_ =	sfence  }
0xba: {  	s30 =	sld [smem:$0x0];
	_ =	sdelay $0x2  }
0xbb: {  	s31 =	sshll.u32 s1, $0xD;
	s1 =	sshrl.u32 s1, $0x2  }
0xbc: {  	s3 =	sand.u32 $0x4000, s31;
	s1 =	sadd.s32 s1, s30  }
0xbd: {  	s0 =	sor.u32 s3, s0;
	s1 =	sshll.u32 s1, $0x11  }
0xbe: {  	s0 =	sor.u32 s1, s0  }
0xbf: {  	s0 =	sadd.s32 $0x8F2B, s0  }
0xc0: {  	[sflag:s0] =	ssyncadd.remote.s32 $0x1  }
0xc1: {  	_ =	sfence.sel $0xFFFF  }
0xc2: {  	[dreg:$0x0] =	wrdreg $0xFFFFFFFF;
	(pc) =	sbr.abs _section_cstart, $3  }
0xc3: {  	[dreg:$0x1] =	wrdreg $0xFFFFFFFF  }
0xc4: {  	_ =	task.clear_ibuf [dreg:s9], $0x2FFFF;
	_ =	strace $0x9FFFFFFF  }
0xc5: {  	(tm) =	ssettm $0x7FFFFFFF  }
tec
execute0_lowered:
.L_overlay_start_1:
0x0: {  	(tag) =	ssettag $0x1  }
0x1: {  	s4 =	rddreg [dreg:$0x0]  }
0x2: {  	s1 =	rddreg [dreg:$0x1]  }
0x3: {  	s7 =	rddreg [dreg:$0x2]  }
0x4: {  	s0 =	rddreg [dreg:$0x3];
	s5 =	srdreg.scid  }
0x5: {  	s3 =	simm.s32 $0x0;
	s2 =	stileid.u32;
	s12 =	simm.s32 $0x2  }
0x6: {  	s13 =	simm.s32 $0x0;
	s5 =	sand.u32 $0x1, s5;
	s8 =	smul.u32 $0x2A0000, s2  }
0x7: {  	[smem:$0x7FF] =	sst s3;
	s25 =	sshll.u32 s2, $0x6;
	s26 =	smul.u32 $0x54000, s2  }
0x8: {  	s6 =	ssub.s32 $0x2, s5;
	_ =	strace $0x80000047;
	s10 =	smul.u32 $0x150000, s5  }
0x9: {  	s11 =	sshll.u32 s5, $0x5;
	s28 =	smul.u32 $0x2A000, s5;
	s9 =	sshrl.u32 s6, $0x1  }
0xa: {  	s30 =	sadd.s32 s26, s7;
	s6 =	ssub.s32 s6, s9;
	s9 =	sor.u32 s11, s25  }
0xb: {  	s8 =	sadd.s32 s10, s8;
	s10 =	simm.s32 $0x3;
	s11 =	simm.s32 $0x1  }
0xc: {  	s9 =	sshrl.u32 s9, $0x3;
	s29 =	sor.u32 $0x5400, s8;
	s5 =	smax.u32 s6, $0x1  }
0xd: {  	s6 =	sadd.s32 s28, s30;
	s8 =	simm.s32 $0x80;
	s31 =	sshrl.u32 s29, $0x3  }
0xe: {  	s4 =	sadd.s32 s4, s9;
	s9 =	simm.s32 $0x5480;
	s7 =	sadd.s32 s31, s7  }
.LBB2_1:
0xf: {  	[tilespmem:s8], [sflag:$0x1] =	stream.linear.gather [hbm4b:s1+s3], $0x5400, $0x38;
	[tilespmem:$0xA880] =	vst v63  }
0x10: {  	_ = 	snop  }
0x11: {  	[tilespmem:s9], [sflag:$0x1] =	stream.linear.gather [hbm4b:s1+s3], $0x5400, $0x38;
	[tilespmem:$0xA880] =	vst v63  }
0x12: {  	_ = 	snop  }
0x13: {  	[tilespmem:s3], [sflag:$0x3] =	stream.linear.gather [hbm4b:s4+s3], $0x20, $0x38;
	[tilespmem:$0xA880] =	vst v63  }
0x14: {  	_ =	swait.ge [sflag:s10], $0x20  }
0x15: {  	[sflag:s10] =	ssyncset.done $0x0  }
0x16: {  	[sflag:s10] =	ssyncadd.s32 $0xFFFFFFE0  }
0x17: {  	_ =	swait.ge [sflag:s11], $0x5400  }
0x18: {  	[sflag:s11] =	ssyncset.done $0x0  }
0x19: {  	[sflag:s11] =	ssyncadd.s32 $0xFFFFAC00  }
0x1a: {  	_ =	swait.ge [sflag:s11], $0x5400  }
0x1b: {  	[sflag:s11] =	ssyncset.done $0x0  }
0x1c: {  	[sflag:s11] =	ssyncadd.s32 $0xFFFFAC00  }
0x1d: {  	s15 =	simm.s32 $0x1500;
	s14 =	simm.s32 $0x0;
	s16 =	simm.s32 $0x0;
	v0 =	vld [tilespmem:s3+$0x0]  }
.LBB2_2:
0x1e: {  	p0 =	sne.s32 s15, $0x28B00;
	_ =	sdelay $0x3  }
0x1f: {  	(v2sf) =	vpush v0, $0x0;
	_ =	sdelay $0xe  }
0x20: {  	s17 =	spop (v2sf)  }
0x21: {  	s17 =	sshll.u32 s17, $0x9  }
0x22: {  	s17 =	sshra.s32 s17, $0x2  }
.Ltmp0:
0x23: {  	s18 =	sadd.s32 s14, s6;
	s17 =	sadd.s32 $0x80, s17;
	(pc) =	sbr.rel @p0 .LBB2_2-.Ltmp0, $4  }
0x24: {  	[hbm4b:s18+s3] =	stream.linear.scatter [tilespmem:s17], [sflag:$0x2], $0x5400, $0x38;
	[tilespmem:$0xA880] =	vst v63  }
0x25: {  	s16 =	sadd.s32 $0x1, s16;
	s18 =	sadd.s32 s14, s7;
	s14 =	smov.u32 s15  }
0x26: {  	[hbm4b:s18+s3] =	stream.linear.scatter [tilespmem:s17], [sflag:$0x2], $0x5400, $0x38;
	[tilespmem:$0xA880] =	vst v63  }
0x27: {  	s15 =	sadd.s32 $0x1500, s15;
	v0 =	vld [tilespmem:s16+$0x0]  }
0x28: {  	_ =	sdelay $0x3  }
0x29: {  	(v2sf) =	vpush v0, $0x0;
	_ =	sdelay $0xe  }
0x2a: {  	s15 =	spop (v2sf)  }
0x2b: {  	s15 =	sshll.u32 s15, $0x9  }
0x2c: {  	s13 =	sadd.s32 $0x1, s13;
	s15 =	sshra.s32 s15, $0x2  }
0x2d: {  	s16 =	sadd.s32 s14, s6;
	p0 =	sne.s32 s13, s5;
	s15 =	sadd.s32 $0x80, s15  }
0x2e: {  	[hbm4b:s16+s3] =	stream.linear.scatter [tilespmem:s15], [sflag:$0x2], $0x5400, $0x38;
	[tilespmem:$0xA880] =	vst v63  }
.Ltmp1:
0x2f: {  	s31 =	sadd.s32 s14, s7;
	(pc) =	sbr.rel @p0 .LBB2_1-.Ltmp1, $4  }
0x30: {  	[hbm4b:s31+s3] =	stream.linear.scatter [tilespmem:s15], [sflag:$0x2], $0x5400, $0x38;
	[tilespmem:$0xA880] =	vst v63  }
0x31: {  	_ =	swait.ge [sflag:s12], $0x2A000  }
0x32: {  	[sflag:s12] =	ssyncset.done $0x0  }
0x33: {  	[sflag:s12] =	ssyncadd.s32 $0xFFFD6000  }
0x34: {  	_ =	sfence.sel $0x180000  }
0x35: {  	[bflag:$0x0] =	sbarrier.arrive $0xFFFF  }
0x36: {  	p0 =	sne.s32 s2, $0x0;
	_ =	strace $0x90000047  }
0x37: {  	s0 =	sadd.s32 @!p0 $0x100000, s0;
	[bflag:$0x2] =	sbarrier.arrive $0xFFFF  }
0x38: {  	[sflag:s0] =	ssyncadd.tile.s32 @!p0 $0x1;
	_ =	shalt  }
.Lfunc_end2:
_tile_overlayer_lowered:
.L_overlay_start_2:
0x39: {  	(tag) =	ssettag $0x2  }
0x3a: {  	s0 =	rddreg [dreg:$0x0];
	s2 =	stileid.u32  }
0x3b: {  	s1 =	rddreg [dreg:$0x1];
	p0 =	sne.s32 s2, $0x0  }
0x3c: {  	s3 =	rddreg [dreg:$0x2];
	[bflag:$0x3] =	sbarrier.arrive $0xFFFF;
	s2 =	simm.s32 @!p0 $0x1C03  }
0x3d: {  	[timem:s3], [sflag:s2] =	dma.local @!p0 [hbm:s0], s1  }
0x3e: {  	s0 =	simm.s32 @!p0 $0x3  }
0x3f: {  	_ =	swait.ge @!p0 [sflag:s0], s1  }
0x40: {  	s1 =	ssub.s32 @!p0 $0x0, s1;
	[sflag:s0] =	ssyncset.done @!p0 $0x0  }
0x41: {  	[sflag:s0] =	ssyncadd.s32 @!p0 s1  }
0x42: {  	[bflag:$0x3] =	sbarrier.arrive $0xFFFF  }
0x43: {  	_ =	shalt  }

</sc_bundles>
